<compile_context>
chip_gen: v7x
topology: tpu7x:2x2x1
jax: 0.10.2.dev20260603
libtpu: 0.0.44.dev20260713+nightly
codegen_flags: <defaults>
</compile_context>

<pallas_src>
import functools
import jax
import jax.numpy as jnp
from jax import lax
from jax.experimental import pallas as pl
from jax.experimental.pallas import tpu as pltpu
from jax.experimental.pallas import tpu_sc as plsc

_VOCAB = 10
_HIDDEN = 1024
_NW = 32
_C = 40


def kernel(indices, word_embeddings):
    n_rows, n_cols = indices.shape
    total = n_rows * n_cols
    bpw = total // _NW
    nch = bpw // _C
    idx = indices.astype(jnp.int32).reshape(total)
    mesh = plsc.VectorSubcoreMesh(core_axis_name="c", subcore_axis_name="s")

    @functools.partial(
        pl.kernel,
        out_type=jax.ShapeDtypeStruct((total, _HIDDEN), jnp.float32),
        mesh=mesh,
        scratch_types=[
            pltpu.VMEM((bpw,), jnp.int32),
            pltpu.VMEM((_C, _HIDDEN), jnp.float32),
            pltpu.VMEM((_C, _HIDDEN), jnp.float32),
            pltpu.SemaphoreType.DMA,
            pltpu.SemaphoreType.DMA,
            pltpu.SemaphoreType.DMA,
            pltpu.SemaphoreType.DMA,
        ],
    )
    def lookup(table_hbm, idx_hbm, out_hbm, idx_v, buf0, buf1, sg0, sg1, sw0, sw1):
        wid = lax.axis_index("s") * 2 + lax.axis_index("c")
        base = wid * bpw
        pltpu.sync_copy(idx_hbm.at[pl.ds(base, bpw)], idx_v)

        def fire_gather(c, buf, sem):
            pltpu.async_copy(table_hbm.at[idx_v.at[pl.ds(c * _C, _C)]], buf, sem)

        def wait_gather(buf, sem):
            pltpu.make_async_copy(
                table_hbm.at[idx_v.at[pl.ds(0, _C)]], buf, sem
            ).wait()

        def fire_write(c, buf, sem):
            pltpu.async_copy(buf, out_hbm.at[pl.ds(base + c * _C, _C)], sem)

        def wait_write(buf, sem):
            pltpu.make_async_copy(buf, out_hbm.at[pl.ds(base, _C)], sem).wait()

        fire_gather(0, buf0, sg0)

        @pl.loop(0, nch, step=2)
        def _(c):
            @pl.when(c > 0)
            def _():
                wait_write(buf1, sw1)

            fire_gather(c + 1, buf1, sg1)
            wait_gather(buf0, sg0)
            fire_write(c, buf0, sw0)

            @pl.when(c + 2 < nch)
            def _():
                wait_write(buf0, sw0)
                fire_gather(c + 2, buf0, sg0)

            wait_gather(buf1, sg1)
            fire_write(c + 1, buf1, sw1)

        wait_write(buf0, sw0)
        wait_write(buf1, sw1)

    out = lookup(word_embeddings, idx)
    return out.reshape(n_rows, n_cols, _HIDDEN)

# --- scband reference (transcript-rebuilt; emitter-appended) ---
"""Pipeline reference for scband-dummy-ptune-model-15152644620709 (READ-ONLY COPY).

The authoritative reference and input builder live on the scoring server;
editing this copy changes nothing except your own understanding.
"""

import jax, jax.numpy as jnp
import numpy as np


def setup_inputs(seed: int = 0) -> dict:
    key = jax.random.key(seed)
    k1, k2 = jax.random.split(key)
    indices = jax.random.randint(k1, (4096, 20), 0, 10, dtype=jnp.int64)
    word_embeddings = jax.random.normal(k2, (10, 1024), dtype=jnp.float32)
    return {"indices": indices, "word_embeddings": word_embeddings}


def reference(indices, word_embeddings):
    # DummyPTuneModel.word_embeddings(indices): nn.Embedding lookup
    # vocab is fixed at 10 in the module; hidden_size = 1024 from config.
    out = jnp.take(word_embeddings, indices, axis=0)
    return out

if __name__ == "__main__":
    import jax
    _d = setup_inputs()
    print(jax.jit(kernel)(*tuple(_d.values())))

</pallas_src>

<mosaic_0001>
#map = affine_map<(d0, d1) -> (0, 0)>
#map1 = affine_map<(d0, d1) -> (0)>
module attributes {stable_mosaic.version = 14 : i64} {
  func.func @lookup(%arg0: i32, %arg1: i32, %arg2: memref<10x1024xf32, #tpu.memory_space<hbm>>, %arg3: memref<81920xi32, #tpu.memory_space<hbm>>, %arg4: memref<81920x1024xf32, #tpu.memory_space<hbm>>, %arg5: memref<2560xi32, #tpu.memory_space<vmem>>, %arg6: memref<40x1024xf32, #tpu.memory_space<vmem>>, %arg7: memref<40x1024xf32, #tpu.memory_space<vmem>>, %arg8: memref<!tpu.dma_semaphore, #tpu.memory_space<semaphore_mem>>, %arg9: memref<!tpu.dma_semaphore, #tpu.memory_space<semaphore_mem>>, %arg10: memref<!tpu.dma_semaphore, #tpu.memory_space<semaphore_mem>>, %arg11: memref<!tpu.dma_semaphore, #tpu.memory_space<semaphore_mem>>) attributes {dimension_semantics = [#tpu.dimension_semantics<core_parallel>, #tpu.dimension_semantics<subcore_parallel>], iteration_bounds = array<i64: 2, 16>, scalar_prefetch = 0 : i64, scratch_operands = 7 : i64, tpu.core_type = #tpu.core_type<sc_vector_subcore>, window_params = [{transform_indices = #map}, {transform_indices = #map1}, {transform_indices = #map}]} {
    %mul3A = arith.constant 2 : i32
    %mul3A_0 = arith.muli %arg1, %mul3A : i32
    %add3A = arith.addi %mul3A_0, %arg0 : i32
    %mul3A_1 = arith.constant 2560 : i32
    %mul3A_2 = arith.muli %add3A, %mul3A_1 : i32
    "tpu.region"() ({
      %run_scoped3A = tpu.sem_alloc : memref<!tpu.dma_semaphore, #tpu.memory_space<semaphore_mem>>
      %dma_start3A_18 = tpu.memref_slice %arg3[%mul3A_2] : memref<81920xi32, #tpu.memory_space<hbm>> -> memref<2560xi32, #tpu.memory_space<hbm>>
      %dma_start3A_19 = tpu.memref_slice %arg3[%mul3A_2] : memref<81920xi32, #tpu.memory_space<hbm>> -> memref<2560xi32, #tpu.memory_space<hbm>>
      tpu.enqueue_dma source(%dma_start3A_19 : memref<2560xi32, #tpu.memory_space<hbm>>) target(%arg5 : memref<2560xi32, #tpu.memory_space<vmem>>) target_semaphore(%run_scoped3A : memref<!tpu.dma_semaphore, #tpu.memory_space<semaphore_mem>>)
      %dma_wait3A_20 = tpu.memref_slice %arg3[%mul3A_2] : memref<81920xi32, #tpu.memory_space<hbm>> -> memref<2560xi32, #tpu.memory_space<hbm>>
      %dma_wait3A_21 = tpu.memref_slice %arg3[%mul3A_2] : memref<81920xi32, #tpu.memory_space<hbm>> -> memref<2560xi32, #tpu.memory_space<hbm>>
      tpu.wait_dma2 semaphore(%run_scoped3A : memref<!tpu.dma_semaphore, #tpu.memory_space<semaphore_mem>>) src(%dma_wait3A_21 : memref<2560xi32, #tpu.memory_space<hbm>>) dst(%arg5 : memref<2560xi32, #tpu.memory_space<vmem>>)
      tpu.yield
    }) : () -> ()
    %dma_start3A = arith.constant 0 : i32
    %dma_start3A_3 = tpu.memref_slice %arg5[%dma_start3A] : memref<2560xi32, #tpu.memory_space<vmem>> -> memref<40xi32, #tpu.memory_space<vmem>>
    %dma_start3A_4 = arith.constant 0 : i32
    %dma_start3A_5 = arith.constant 0 : i32
    %dma_start3A_6 = tpu.memref_slice %arg2[%dma_start3A_4, %dma_start3A_5] : memref<10x1024xf32, #tpu.memory_space<hbm>> -> memref<10x1024xf32, #tpu.memory_space<hbm>>
    tpu.enqueue_indirect_dma source(%dma_start3A_6 : memref<10x1024xf32, #tpu.memory_space<hbm>>) target(%arg6 : memref<40x1024xf32, #tpu.memory_space<vmem>>) offsets(%dma_start3A_3 : memref<40xi32, #tpu.memory_space<vmem>>) semaphore(%arg8 : memref<!tpu.dma_semaphore, #tpu.memory_space<semaphore_mem>>)
    %scan3A = arith.constant 0 : i32
    %scan3A_7 = arith.constant 32 : i32
    %scan3A_8 = arith.addi %scan3A, %scan3A_7 : i32
    %scan3A_9 = arith.constant 1 : i32
    scf.for %scan3A_18 = %scan3A to %scan3A_8 step %scan3A_9  : i32 {
      %mul3A_19 = arith.constant 2 : i32
      %mul3A_20 = arith.muli %scan3A_18, %mul3A_19 : i32
      %add3A_21 = arith.constant 0 : i32
      %add3A_22 = arith.addi %add3A_21, %mul3A_20 : i32
      %gt3A = arith.constant 0 : i32
      %gt3A_23 = arith.cmpi sgt, %add3A_22, %gt3A : i32
      %convert_element_type3A = arith.extui %gt3A_23 : i1 to i32
      %cond3A = arith.constant 0 : i32
      %cond3A_24 = arith.cmpi ne, %convert_element_type3A, %cond3A : i32
      scf.if %cond3A_24 {
        %dma_wait3A_65 = arith.constant 0 : i32
        %dma_wait3A_66 = tpu.memref_slice %arg4[%mul3A_2, %dma_wait3A_65] : memref<81920x1024xf32, #tpu.memory_space<hbm>> -> memref<40x1024xf32, #tpu.memory_space<hbm>>
        %dma_wait3A_67 = arith.constant 0 : i32
        %dma_wait3A_68 = tpu.memref_slice %arg4[%mul3A_2, %dma_wait3A_67] : memref<81920x1024xf32, #tpu.memory_space<hbm>> -> memref<40x1024xf32, #tpu.memory_space<hbm>>
        tpu.wait_dma2 semaphore(%arg11 : memref<!tpu.dma_semaphore, #tpu.memory_space<semaphore_mem>>) src(%arg7 : memref<40x1024xf32, #tpu.memory_space<vmem>>) dst(%dma_wait3A_68 : memref<40x1024xf32, #tpu.memory_space<hbm>>)
      } else {
      }
      %add3A_25 = arith.constant 1 : i32
      %add3A_26 = arith.addi %add3A_22, %add3A_25 : i32
      %mul3A_27 = arith.constant 40 : i32
      %mul3A_28 = arith.muli %add3A_26, %mul3A_27 : i32
      %dma_start3A_29 = tpu.memref_slice %arg5[%mul3A_28] : memref<2560xi32, #tpu.memory_space<vmem>> -> memref<40xi32, #tpu.memory_space<vmem>>
      %dma_start3A_30 = arith.constant 0 : i32
      %dma_start3A_31 = arith.constant 0 : i32
      %dma_start3A_32 = tpu.memref_slice %arg2[%dma_start3A_30, %dma_start3A_31] : memref<10x1024xf32, #tpu.memory_space<hbm>> -> memref<10x1024xf32, #tpu.memory_space<hbm>>
      tpu.enqueue_indirect_dma source(%dma_start3A_32 : memref<10x1024xf32, #tpu.memory_space<hbm>>) target(%arg7 : memref<40x1024xf32, #tpu.memory_space<vmem>>) offsets(%dma_start3A_29 : memref<40xi32, #tpu.memory_space<vmem>>) semaphore(%arg9 : memref<!tpu.dma_semaphore, #tpu.memory_space<semaphore_mem>>)
      %dma_wait3A_33 = arith.constant 0 : i32
      %dma_wait3A_34 = tpu.memref_slice %arg5[%dma_wait3A_33] : memref<2560xi32, #tpu.memory_space<vmem>> -> memref<40xi32, #tpu.memory_space<vmem>>
      %dma_wait3A_35 = arith.constant 0 : i32
      %dma_wait3A_36 = arith.constant 0 : i32
      %dma_wait3A_37 = tpu.memref_slice %arg2[%dma_wait3A_35, %dma_wait3A_36] : memref<10x1024xf32, #tpu.memory_space<hbm>> -> memref<10x1024xf32, #tpu.memory_space<hbm>>
      tpu.wait_indirect_dma semaphore(%arg8 : memref<!tpu.dma_semaphore, #tpu.memory_space<semaphore_mem>>) src(%dma_wait3A_37 : memref<10x1024xf32, #tpu.memory_space<hbm>>) dst(%arg6 : memref<40x1024xf32, #tpu.memory_space<vmem>>)
      %mul3A_38 = arith.constant 40 : i32
      %mul3A_39 = arith.muli %add3A_22, %mul3A_38 : i32
      %add3A_40 = arith.addi %mul3A_2, %mul3A_39 : i32
      %dma_start3A_41 = arith.constant 0 : i32
      %dma_start3A_42 = tpu.memref_slice %arg4[%add3A_40, %dma_start3A_41] : memref<81920x1024xf32, #tpu.memory_space<hbm>> -> memref<40x1024xf32, #tpu.memory_space<hbm>>
      %dma_start3A_43 = arith.constant 0 : i32
      %dma_start3A_44 = tpu.memref_slice %arg4[%add3A_40, %dma_start3A_43] : memref<81920x1024xf32, #tpu.memory_space<hbm>> -> memref<40x1024xf32, #tpu.memory_space<hbm>>
      tpu.enqueue_dma source(%arg6 : memref<40x1024xf32, #tpu.memory_space<vmem>>) target(%dma_start3A_44 : memref<40x1024xf32, #tpu.memory_space<hbm>>) target_semaphore(%arg10 : memref<!tpu.dma_semaphore, #tpu.memory_space<semaphore_mem>>)
      %add3A_45 = arith.constant 2 : i32
      %add3A_46 = arith.addi %add3A_22, %add3A_45 : i32
      %lt3A = arith.constant 64 : i32
      %lt3A_47 = arith.cmpi slt, %add3A_46, %lt3A : i32
      %convert_element_type3A_48 = arith.extui %lt3A_47 : i1 to i32
      %cond3A_49 = arith.constant 0 : i32
      %cond3A_50 = arith.cmpi ne, %convert_element_type3A_48, %cond3A_49 : i32
      scf.if %cond3A_50 {
        %dma_wait3A_65 = arith.constant 0 : i32
        %dma_wait3A_66 = tpu.memref_slice %arg4[%mul3A_2, %dma_wait3A_65] : memref<81920x1024xf32, #tpu.memory_space<hbm>> -> memref<40x1024xf32, #tpu.memory_space<hbm>>
        %dma_wait3A_67 = arith.constant 0 : i32
        %dma_wait3A_68 = tpu.memref_slice %arg4[%mul3A_2, %dma_wait3A_67] : memref<81920x1024xf32, #tpu.memory_space<hbm>> -> memref<40x1024xf32, #tpu.memory_space<hbm>>
        tpu.wait_dma2 semaphore(%arg10 : memref<!tpu.dma_semaphore, #tpu.memory_space<semaphore_mem>>) src(%arg6 : memref<40x1024xf32, #tpu.memory_space<vmem>>) dst(%dma_wait3A_68 : memref<40x1024xf32, #tpu.memory_space<hbm>>)
        %add3A_69 = arith.constant 2 : i32
        %add3A_70 = arith.addi %add3A_22, %add3A_69 : i32
        %mul3A_71 = arith.constant 40 : i32
        %mul3A_72 = arith.muli %add3A_70, %mul3A_71 : i32
        %dma_start3A_73 = tpu.memref_slice %arg5[%mul3A_72] : memref<2560xi32, #tpu.memory_space<vmem>> -> memref<40xi32, #tpu.memory_space<vmem>>
        %dma_start3A_74 = arith.constant 0 : i32
        %dma_start3A_75 = arith.constant 0 : i32
        %dma_start3A_76 = tpu.memref_slice %arg2[%dma_start3A_74, %dma_start3A_75] : memref<10x1024xf32, #tpu.memory_space<hbm>> -> memref<10x1024xf32, #tpu.memory_space<hbm>>
        tpu.enqueue_indirect_dma source(%dma_start3A_76 : memref<10x1024xf32, #tpu.memory_space<hbm>>) target(%arg6 : memref<40x1024xf32, #tpu.memory_space<vmem>>) offsets(%dma_start3A_73 : memref<40xi32, #tpu.memory_space<vmem>>) semaphore(%arg8 : memref<!tpu.dma_semaphore, #tpu.memory_space<semaphore_mem>>)
      } else {
      }
      %dma_wait3A_51 = arith.constant 0 : i32
      %dma_wait3A_52 = tpu.memref_slice %arg5[%dma_wait3A_51] : memref<2560xi32, #tpu.memory_space<vmem>> -> memref<40xi32, #tpu.memory_space<vmem>>
      %dma_wait3A_53 = arith.constant 0 : i32
      %dma_wait3A_54 = arith.constant 0 : i32
      %dma_wait3A_55 = tpu.memref_slice %arg2[%dma_wait3A_53, %dma_wait3A_54] : memref<10x1024xf32, #tpu.memory_space<hbm>> -> memref<10x1024xf32, #tpu.memory_space<hbm>>
      tpu.wait_indirect_dma semaphore(%arg9 : memref<!tpu.dma_semaphore, #tpu.memory_space<semaphore_mem>>) src(%dma_wait3A_55 : memref<10x1024xf32, #tpu.memory_space<hbm>>) dst(%arg7 : memref<40x1024xf32, #tpu.memory_space<vmem>>)
      %add3A_56 = arith.constant 1 : i32
      %add3A_57 = arith.addi %add3A_22, %add3A_56 : i32
      %mul3A_58 = arith.constant 40 : i32
      %mul3A_59 = arith.muli %add3A_57, %mul3A_58 : i32
      %add3A_60 = arith.addi %mul3A_2, %mul3A_59 : i32
      %dma_start3A_61 = arith.constant 0 : i32
      %dma_start3A_62 = tpu.memref_slice %arg4[%add3A_60, %dma_start3A_61] : memref<81920x1024xf32, #tpu.memory_space<hbm>> -> memref<40x1024xf32, #tpu.memory_space<hbm>>
      %dma_start3A_63 = arith.constant 0 : i32
      %dma_start3A_64 = tpu.memref_slice %arg4[%add3A_60, %dma_start3A_63] : memref<81920x1024xf32, #tpu.memory_space<hbm>> -> memref<40x1024xf32, #tpu.memory_space<hbm>>
      tpu.enqueue_dma source(%arg7 : memref<40x1024xf32, #tpu.memory_space<vmem>>) target(%dma_start3A_64 : memref<40x1024xf32, #tpu.memory_space<hbm>>) target_semaphore(%arg11 : memref<!tpu.dma_semaphore, #tpu.memory_space<semaphore_mem>>)
    }
    %scan3A_10 = arith.constant 32 : i32
    %dma_wait3A = arith.constant 0 : i32
    %dma_wait3A_11 = tpu.memref_slice %arg4[%mul3A_2, %dma_wait3A] : memref<81920x1024xf32, #tpu.memory_space<hbm>> -> memref<40x1024xf32, #tpu.memory_space<hbm>>
    %dma_wait3A_12 = arith.constant 0 : i32
    %dma_wait3A_13 = tpu.memref_slice %arg4[%mul3A_2, %dma_wait3A_12] : memref<81920x1024xf32, #tpu.memory_space<hbm>> -> memref<40x1024xf32, #tpu.memory_space<hbm>>
    tpu.wait_dma2 semaphore(%arg10 : memref<!tpu.dma_semaphore, #tpu.memory_space<semaphore_mem>>) src(%arg6 : memref<40x1024xf32, #tpu.memory_space<vmem>>) dst(%dma_wait3A_13 : memref<40x1024xf32, #tpu.memory_space<hbm>>)
    %dma_wait3A_14 = arith.constant 0 : i32
    %dma_wait3A_15 = tpu.memref_slice %arg4[%mul3A_2, %dma_wait3A_14] : memref<81920x1024xf32, #tpu.memory_space<hbm>> -> memref<40x1024xf32, #tpu.memory_space<hbm>>
    %dma_wait3A_16 = arith.constant 0 : i32
    %dma_wait3A_17 = tpu.memref_slice %arg4[%mul3A_2, %dma_wait3A_16] : memref<81920x1024xf32, #tpu.memory_space<hbm>> -> memref<40x1024xf32, #tpu.memory_space<hbm>>
    tpu.wait_dma2 semaphore(%arg11 : memref<!tpu.dma_semaphore, #tpu.memory_space<semaphore_mem>>) src(%arg7 : memref<40x1024xf32, #tpu.memory_space<vmem>>) dst(%dma_wait3A_17 : memref<40x1024xf32, #tpu.memory_space<hbm>>)
    return
  }
}

</mosaic_0001>

<sc_bundles>
// kernel: kernel.3.cloned.1.call-start
scs
__scs_entry_jumppad:
0x0: {  	(pc) =	sbr.rel $0x88, $3  }
0x1: {  	(tag) =	ssettag $0x0;
	lr =	simm.s32 $0x1  }
0x2: {  	[smem:$0x3F9F] =	sst lr;
	_ =	strace $0xD0000000  }
0x3: {  	_ = 	snop  }
0x4: {  	_ = 	snop  }
0x5: {  	_ = 	snop  }
0x6: {  	_ = 	snop  }
0x7: {  	_ = 	snop  }
__scs_overlays_trampoline_lowered:
0x8: {  	[smem:$0x3FAE] =	sst s0  }
0x9: {  	[smem:$0x3FAF] =	sst s1  }
0xa: {  	[smem:$0x3FB0] =	sst s2  }
0xb: {  	[smem:$0x3FB1] =	sst s3  }
0xc: {  	[smem:$0x3FB2] =	sst s4  }
0xd: {  	[smem:$0x3FB3] =	sst s5  }
0xe: {  	[smem:$0x3FB4] =	sst s6  }
0xf: {  	[smem:$0x3FB5] =	sst s7  }
0x10: {  	[smem:$0x3FB6] =	sst s8  }
0x11: {  	[smem:$0x3FB7] =	sst s9;
	s0 =	simm.s32 @!p0 $0x0  }
0x12: {  	s1 =	sld [smem:$0x3F9D];
	s0 =	simm.s32 @p0 $0x1  }
0x13: {  	[smem:$0x3FB8] =	sst s0;
	s0 =	simm.s32 @!p1 $0x0  }
0x14: {  	s2 =	sld [smem:$0x3F9C];
	s0 =	simm.s32 @p1 $0x1  }
0x15: {  	[smem:$0x3FB9] =	sst s0;
	s0 =	simm.s32 @!p2 $0x0  }
0x16: {  	s3 =	sld [smem:$0x3FDB];
	s0 =	simm.s32 @p2 $0x1  }
0x17: {  	s4 =	simm.s32 $0x1BF5;
	[smem:$0x3FBB] =	sst s0  }
0x18: {  	s0 =	sld [smem:$0x3F9E];
	_ =	swait.ge [sflag:s4], $0x0  }
0x19: {  	s7 =	sld [smem:$0x3F9F]  }
0x1a: {  	s8 =	sadd.s32 $0xFFFFE003, lr  }
0x1b: {  	s9 =	sadd.s32 $0xFFFFFEF7, lr;
	s5 =	simm.s32 $0xFFFFFFFF;
	p2 =	slt.u32 s8, $0xFFFFF086  }
0x1c: {  	p1 =	slt.u32 s9, $0xF7A;
	s5 =	simm.s32 @!p2 $0x0  }
0x1d: {  	s5 =	simm.s32 @p1 $0x1;
	p0 =	seq.s32 s7, s2  }
0x1e: {  	s7 =	smul.u32 @!p0 $0xF7A, s2;
	p2 =	seq.s32 @!p0 s5, $0x0  }
0x1f: {  	s9 =	smul.u32 $0xF7A, s1;
	s8 =	simm.s32 @!p0 $0x1BF5;
	p2 =	por !p2, p0  }
0x20: {  	[sflag:s8] =	ssyncset.s32 @!p0 $0xFFFFF086;
	s6 =	sadd.s32 @!p0 s3, s7;
	s7 =	simm.s32 @!p0 $0x108  }
0x21: {  	s3 =	sadd.s32 s3, s9;
	s6 =	sadd.s32 @!p0 $0x88, s6;
	s7 =	simm.s32 @p2 $0x1082  }
0x22: {  	[simem:s7], [sflag:s8] =	dma.local @!p0 [hbm:s6], $0xF7A  }
0x23: {  	s9 =	sor.u32 $0xD0000000, s2;
	s6 =	simm.s32 $0x108;
	_ =	swait.ge @!p0 [sflag:s8], $0x0  }
0x24: {  	s3 =	sadd.s32 $0x88, s3;
	s6 =	simm.s32 @!p1 $0x1082;
	[sflag:s4] =	ssyncset.s32 $0xFFFFF086  }
0x25: {  	[simem:s6], [sflag:s4] =	dma.local [hbm:s3], $0xF7A  }
0x26: {  	[smem:$0x3F9F] =	sst s1;
	(tag) =	ssettag s2;
	_ =	strace s9  }
0x27: {  	s1 =	sld [smem:$0x3FAF]  }
0x28: {  	s2 =	sld [smem:$0x3FB0]  }
0x29: {  	s4 =	sld [smem:$0x3FB2]  }
0x2a: {  	p0 =	seq.s32 s5, $0x0;
	s5 =	sld [smem:$0x3FB3]  }
0x2b: {  	s6 =	sld [smem:$0x3FB4]  }
0x2c: {  	s7 =	sld [smem:$0x3FB5]  }
0x2d: {  	s3 =	simm.s32 $0x108;
	s8 =	sld [smem:$0x3FB6]  }
0x2e: {  	s3 =	simm.s32 @!p0 $0x1082;
	s9 =	sld [smem:$0x3FB7]  }
0x2f: {  	lr =	sadd.s32 s0, s3;
	s0 =	sld [smem:$0x3FAE]  }
0x30: {  	s3 =	sld [smem:$0x3FB1]  }
0x31: {  	[smem:$0x3FBA] =	sst s10  }
0x32: {  	s10 =	sld [smem:$0x3FB8];
	_ =	sdelay $0x3  }
0x33: {  	p0 =	seq.s32 s10, $0x1;
	s10 =	sld [smem:$0x3FBA];
	_ =	sdelay $0x3  }
0x34: {  	[smem:$0x3FBA] =	sst s10  }
0x35: {  	s10 =	sld [smem:$0x3FB9];
	_ =	sdelay $0x3  }
0x36: {  	p1 =	seq.s32 s10, $0x1;
	s10 =	sld [smem:$0x3FBA];
	_ =	sdelay $0x3  }
0x37: {  	[smem:$0x3FBA] =	sst s10  }
0x38: {  	s10 =	sld [smem:$0x3FBB]  }
0x39: {  	_ = 	snop;
	(pc) =	sbr.ind lr, $3  }
0x3a: {  	_ = 	snop  }
0x3b: {  	_ = 	snop  }
0x3c: {  	p2 =	seq.s32 s10, $0x1;
	s10 =	sld [smem:$0x3FBA]  }
0x3d: {  	_ =	shalt  }
0x3e: {  	_ =	shalt  }
0x3f: {  	_ =	shalt  }
0x40: {  	_ =	shalt  }
0x41: {  	_ =	shalt  }
0x42: {  	_ =	shalt  }
0x43: {  	_ =	shalt  }
0x44: {  	_ =	shalt  }
0x45: {  	_ =	shalt  }
0x46: {  	_ =	shalt  }
0x47: {  	_ =	shalt  }
0x48: {  	_ =	shalt  }
0x49: {  	_ =	shalt  }
0x4a: {  	_ =	shalt  }
0x4b: {  	_ =	shalt  }
0x4c: {  	_ =	shalt  }
0x4d: {  	_ =	shalt  }
0x4e: {  	_ =	shalt  }
0x4f: {  	_ =	shalt  }
0x50: {  	_ =	shalt  }
0x51: {  	_ =	shalt  }
0x52: {  	_ =	shalt  }
0x53: {  	_ =	shalt  }
0x54: {  	_ =	shalt  }
0x55: {  	_ =	shalt  }
0x56: {  	_ =	shalt  }
0x57: {  	_ =	shalt  }
0x58: {  	_ =	shalt  }
0x59: {  	_ =	shalt  }
0x5a: {  	_ =	shalt  }
0x5b: {  	_ =	shalt  }
0x5c: {  	_ =	shalt  }
0x5d: {  	_ =	shalt  }
0x5e: {  	_ =	shalt  }
0x5f: {  	_ =	shalt  }
0x60: {  	_ =	shalt  }
0x61: {  	_ =	shalt  }
0x62: {  	_ =	shalt  }
0x63: {  	_ =	shalt  }
0x64: {  	_ =	shalt  }
0x65: {  	_ =	shalt  }
0x66: {  	_ =	shalt  }
0x67: {  	_ =	shalt  }
0x68: {  	_ =	shalt  }
0x69: {  	_ =	shalt  }
0x6a: {  	_ =	shalt  }
0x6b: {  	_ =	shalt  }
0x6c: {  	_ =	shalt  }
0x6d: {  	_ =	shalt  }
0x6e: {  	_ =	shalt  }
0x6f: {  	_ =	shalt  }
0x70: {  	_ =	shalt  }
0x71: {  	_ =	shalt  }
0x72: {  	_ =	shalt  }
0x73: {  	_ =	shalt  }
0x74: {  	_ =	shalt  }
0x75: {  	_ =	shalt  }
0x76: {  	_ =	shalt  }
0x77: {  	_ =	shalt  }
0x78: {  	_ =	shalt  }
0x79: {  	_ =	shalt  }
0x7a: {  	_ =	shalt  }
0x7b: {  	_ =	shalt  }
0x7c: {  	_ =	shalt  }
0x7d: {  	_ =	shalt  }
0x7e: {  	_ =	shalt  }
0x7f: {  	_ =	shalt  }
0x80: {  	_ =	shalt  }
0x81: {  	_ =	shalt  }
0x82: {  	_ =	shalt  }
0x83: {  	_ =	shalt  }
0x84: {  	_ =	shalt  }
0x85: {  	_ =	shalt  }
0x86: {  	_ =	shalt  }
0x87: {  	_ =	shalt  }
.Lfunc_end0:
.L_simem_size_0:
called_computation.1_lowered:
.L_overlay_start_0:
0x88: {  	s2 =	sld [smem:$0x3FD9]  }
0x89: {  	s3 =	sld [smem:$0x3FFE];
	_ =	sdelay $0x1  }
0x8a: {  	s1 =	srdreg.scid  }
0x8b: {  	s0 =	sand.u32 $0x1, s1  }
0x8c: {  	s17 =	sshll.u32 s0, $0xA;
	s2 =	sadd.s32 s3, s2  }
0x8d: {  	s2 =	sadd.s32 s2, s17  }
0x8e: {  	[smem:$0x3FC6] =	sst s2  }
0x8f: {  	_ = 	snop  }
0x90: {  	s2 =	sld [smem:$0x3FC8]  }
0x91: {  	s18 =	sld [smem:$0x3FD0];
	(tm) =	ssettm $0x1  }
0x92: {  	s4 =	sld [smem:$0x3FFB];
	_ =	sdelay $0x3  }
0x93: {  	_ =	strace s4  }
0x94: {  	s4 =	sld [smem:$0x3FFC];
	_ =	sdelay $0x3  }
0x95: {  	_ =	strace s4  }
0x96: {  	s4 =	sld [smem:$0x3FFD];
	_ =	sdelay $0x3  }
0x97: {  	_ =	strace s4  }
0x98: {  	_ =	strace $0x8FFFFFFF  }
0x99: {  	s19 =	sld [smem:$0x3FDB];
	_ =	sdelay $0x1  }
0x9a: {  	s5 =	simm.s32 $_scs_section_size  }
0x9b: {  	s6 =	simm.s32 $_size__tile_overlayer_lowered;
	s7 =	simm.s32 $_tile_overlayer_lowered  }
0x9c: {  	s22 =	simm.s32 $0x1BFF;
	s21 =	sshll.u32 s7, $0x1;
	s4 =	sadd.s32 s5, s19  }
0x9d: {  	s8 =	simm.s32 $0x0;
	s20 =	sshll.u32 s6, $0x1;
	s6 =	sadd.s32 s21, s4  }
0x9e: {  	[timem:s8], [sflag:s22] =	dma.local [hbm:s6], s20  }
0x9f: {  	_ =	swait.ge [sflag:s22], s20  }
0xa0: {  	s5 =	ssub.s32 $0x0, s20;
	[sflag:s22] =	ssyncset.done $0x0  }
0xa1: {  	[sflag:s22] =	ssyncadd.s32 s5;
	_ =	sdelay $0x1  }
0xa2: {  	s23 =	simm.s32 $0x1B8B  }
0xa3: {  	_ =	swait.ge [sflag:s23], $0x1  }
0xa4: {  	[sflag:s23] =	ssyncset.done $0x0  }
0xa5: {  	s25 =	simm.s32 $0x1B8E;
	s24 =	sld [smem:$0x3FFE];
	[sflag:s23] =	ssyncadd.s32 $0xFFFFFFFF  }
0xa6: {  	s26 =	simm.s32 $execute0_lowered;
	[smem:$0x3FD2] =	sst s25  }
0xa7: {  	s6 =	sshll.u32 s26, $0x1;
	_ =	strace $0x80000046;
	[dreg:$0x1] =	wrdreg $0xFFFFFFFF  }
0xa8: {  	s28 =	simm.s32 $_size_execute0_lowered;
	s4 =	sadd.s32 s4, s6;
	[dreg:$0x0] =	wrdreg $0x0  }
0xa9: {  	s6 =	sshll.u32 s28, $0x1;
	[dreg:$0x2] =	wrdreg s4  }
0xaa: {  	[dreg:$0x3] =	wrdreg s6  }
0xab: {  	[dreg:$0x4] =	wrdreg $0xC0  }
0xac: {  	_ =	task [dreg:s8], $0x5FFFF  }
0xad: {  	[dreg:$0x1] =	wrdreg $0xFFFFFFFF  }
0xae: {  	[dreg:$0x0] =	wrdreg $0x60  }
0xaf: {  	[dreg:$0x2] =	wrdreg s2  }
0xb0: {  	[dreg:$0x3] =	wrdreg s24  }
0xb1: {  	[dreg:$0x4] =	wrdreg s18  }
0xb2: {  	[dreg:$0x5] =	wrdreg $0x9  }
0xb3: {  	_ =	task.clear_ibuf [dreg:s8], $0x6FFFF;
	_ =	strace $0x90000046  }
0xb4: {  	s29 =	simm.s32 $0x9;
	_ =	strace $0x80000048  }
0xb5: {  	_ =	swait.ge [sflag:s29], $0x1  }
0xb6: {  	[sflag:s29] =	ssyncadd.s32 $0xFFFFFFFF  }
0xb7: {  	_ =	strace $0x90000048  }
0xb8: {  	_ =	sfence  }
0xb9: {  	s30 =	sld [smem:$0x0];
	_ =	sdelay $0x2  }
0xba: {  	s31 =	sshll.u32 s1, $0xD;
	s1 =	sshrl.u32 s1, $0x2  }
0xbb: {  	s3 =	sand.u32 $0x4000, s31;
	s1 =	sadd.s32 s1, s30  }
0xbc: {  	s0 =	sor.u32 s3, s0;
	s1 =	sshll.u32 s1, $0x11  }
0xbd: {  	s0 =	sor.u32 s1, s0  }
0xbe: {  	s0 =	sadd.s32 $0x8F2B, s0  }
0xbf: {  	[sflag:s0] =	ssyncadd.remote.s32 $0x1  }
0xc0: {  	_ =	sfence.sel $0xFFFF  }
0xc1: {  	[dreg:$0x0] =	wrdreg $0xFFFFFFFF;
	(pc) =	sbr.abs _section_cstart, $3  }
0xc2: {  	[dreg:$0x1] =	wrdreg $0xFFFFFFFF  }
0xc3: {  	_ =	task.clear_ibuf [dreg:s8], $0x2FFFF;
	_ =	strace $0x9FFFFFFF  }
0xc4: {  	(tm) =	ssettm $0x7FFFFFFF  }
0xc5: {  	_ =	shalt  }
tec
execute0_lowered:
.L_overlay_start_1:
0x0: {  	(tag) =	ssettag $0x1  }
0x1: {  	s1 =	rddreg [dreg:$0x0];
	s0 =	srdreg.scid  }
0x2: {  	s9 =	stileid.u32;
	s2 =	rddreg [dreg:$0x1]  }
0x3: {  	s4 =	rddreg [dreg:$0x2];
	s11 =	simm.s32 $0xA00;
	s10 =	simm.s32 $0xCA00  }
0x4: {  	s12 =	simm.s32 $0xD200;
	s13 =	simm.s32 $0xDA00;
	s14 =	simm.s32 $0xE200  }
0x5: {  	s15 =	simm.s32 $0xEA00;
	s16 =	simm.s32 $0xF200;
	s17 =	simm.s32 $0xFA00  }
0x6: {  	s18 =	simm.s32 $0x10200;
	s19 =	simm.s32 $0x10A00;
	s20 =	simm.s32 $0x11200  }
0x7: {  	s21 =	simm.s32 $0x11A00;
	s22 =	simm.s32 $0x12200;
	s23 =	simm.s32 $0x12A00  }
0x8: {  	s24 =	simm.s32 $0x13200;
	s28 =	simm.s32 $0x1;
	s29 =	simm.s32 $0x2  }
0x9: {  	s30 =	simm.s32 $0x3;
	s0 =	sand.u32 $0x1, s0;
	s3 =	sshll.u32 s9, $0x1  }
0xa: {  	s31 =	simm.s32 $0x0;
	s9 =	smul.u32 $0xA0000, s9;
	s5 =	sor.u32 s0, s3  }
0xb: {  	s3 =	simm.s32 $0x0;
	s6 =	ssub.s32 $0x2, s0;
	s0 =	smul.u32 $0x50000, s0  }
0xc: {  	s5 =	smul.u32 $0xA00, s5;
	[smem:$0x7FF] =	sst s3;
	s7 =	sshrl.u32 s6, $0x1  }
0xd: {  	s25 =	sadd.s32 s9, s4;
	_ =	strace $0x80000047;
	s8 =	ssub.s32 s6, s7  }
.Ltmp0:
0xe: {  	s6 =	sadd.s32 $0x200, s1;
	s7 =	sadd.s32 $0x300, s1;
	(pc) =	sbr.rel .LBB2_1-.Ltmp0, $4  }
0xf: {  	s9 =	sadd.s32 s0, s25;
	s25 =	simm.s32 $0x13A00;
	s5 =	sshrl.u32 s5, $0x3  }
0x10: {  	v2 =	vlaneseq.u32;
	s26 =	smax.u32 s8, $0x1;
	s8 =	simm.s32 $0xB200;
	s2 =	sadd.s32 s5, s2  }
0x11: {  	vm0 =	vmmov $0xffff;
	v1 =	vshrl.u32 v2, $0x3;
	s5 =	sadd.s32 $0x100, s1;
	[dreg:$0x5] =	wrdreg s26;
	s2 =	sadd.s32 $0x800, s2  }
0x12: {  	v0 =	vand.u32 $0x7, v2;
	v2 =	vor.u32 $0x8, v2;
	v1 =	vmul.u32 $0x8, v1;
	s26 =	simm.s32 $0x14200;
	[dreg:$0x4] =	wrdreg s2;
	s2 =	simm.s32 $0xAA00  }
.LBB2_5:
0x13: {  	_ =	swait.ge [sflag:s30], $0xA000  }
0x14: {  	[sflag:s30] =	ssyncset.done $0x0  }
0x15: {  	s4 =	simm.s32 $0x4;
	[sflag:s30] =	ssyncadd.s32 $0xFFFF6000  }
0x16: {  	_ =	swait.ge [sflag:s4], $0xA000  }
0x17: {  	s31 =	rddreg [dreg:$0x6]  }
0x18: {  	s0 =	rddreg [dreg:$0x5];
	s31 =	sadd.s32 $0x1, s31  }
0x19: {  	p0 =	sne.s32 s31, s0  }
.Ltmp1:
0x1a: {  	_ = 	snop;
	(pc) =	sbr.rel @!p0 .LBB2_6-.Ltmp1, $3  }
0x1b: {  	_ =	sdelay $0x1  }
0x1c: {  	[sflag:s4] =	ssyncset.done $0x0  }
0x1d: {  	[sflag:s4] =	ssyncadd.s32 $0xFFFF6000  }
.LBB2_1:
0x1e: {  	[dreg:$0x6] =	wrdreg s31  }
0x1f: {  	s0 =	rddreg [dreg:$0x4];
	s4 =	simm.s32 $0x5  }
0x20: {  	[tilespmem:s3], [sflag:$0x5] =	stream.linear.gather [hbm4b:s0+s3], $0xA00, $0x38;
	[tilespmem:$0x14A00] =	vst v63  }
0x21: {  	_ =	swait.ge [sflag:s4], $0xA00  }
0x22: {  	[sflag:s4] =	ssyncset.done $0x0  }
0x23: {  	[sflag:s4] =	ssyncadd.s32 $0xFFFFF600  }
0x24: {  	v3 =	vld [tilespmem:$0x0];
	_ =	sdelay $0x4  }
0x25: {  	v4 =	vshll.u32 v3, $0x3  }
0x26: {  	v3 =	vand.u32 $0x7, v3;
	v4 =	vand.u32 $0xFFFFFFC0, v4  }
0x27: {  	v3 =	vor.u32 v3, v4  }
0x28: {  	v4 =	vperm.xlane v3, v0;
	_ =	sdelay $0x1  }
0x29: {  	v4 =	vadd.s32 v1, v4;
	_ =	sdelay $0x4  }
0x2a: {  	[tilespmem:s11], [sflag:$0x1] =	stream.indirect_vreg.gather [hbm4b:s1+s3], $0x80, v4, vm0, $0xb8;
	[tilespmem:$0x14A00] =	vst v63  }
0x2b: {  	s4 =	simm.s32 $0x1200;
	v3 =	vperm.xlane v3, v2  }
0x2c: {  	[tilespmem:s4], [sflag:$0x1] =	stream.indirect_vreg.gather [hbm4b:s5+s3], $0x80, v4, vm0, $0xb8;
	[tilespmem:$0x14A00] =	vst v63  }
0x2d: {  	v3 =	vadd.s32 v1, v3;
	s4 =	simm.s32 $0x1A00  }
0x2e: {  	[tilespmem:s4], [sflag:$0x1] =	stream.indirect_vreg.gather [hbm4b:s6+s3], $0x80, v4, vm0, $0xb8;
	[tilespmem:$0x14A00] =	vst v63  }
0x2f: {  	s4 =	simm.s32 $0x2200  }
0x30: {  	[tilespmem:s4], [sflag:$0x1] =	stream.indirect_vreg.gather [hbm4b:s7+s3], $0x80, v4, vm0, $0xb8;
	[tilespmem:$0x14A00] =	vst v63  }
0x31: {  	s4 =	simm.s32 $0x2A00  }
0x32: {  	[tilespmem:s4], [sflag:$0x1] =	stream.indirect_vreg.gather [hbm4b:s1+s3], $0x80, v3, vm0, $0xb8;
	[tilespmem:$0x14A00] =	vst v63  }
0x33: {  	s4 =	simm.s32 $0x3200  }
0x34: {  	[tilespmem:s4], [sflag:$0x1] =	stream.indirect_vreg.gather [hbm4b:s5+s3], $0x80, v3, vm0, $0xb8;
	[tilespmem:$0x14A00] =	vst v63  }
0x35: {  	s4 =	simm.s32 $0x3A00  }
0x36: {  	[tilespmem:s4], [sflag:$0x1] =	stream.indirect_vreg.gather [hbm4b:s6+s3], $0x80, v3, vm0, $0xb8;
	[tilespmem:$0x14A00] =	vst v63  }
0x37: {  	s4 =	simm.s32 $0x4200  }
0x38: {  	[tilespmem:s4], [sflag:$0x1] =	stream.indirect_vreg.gather [hbm4b:s7+s3], $0x80, v3, vm0, $0xb8;
	[tilespmem:$0x14A00] =	vst v63  }
0x39: {  	v3 =	vld [tilespmem:$0x10];
	_ =	sdelay $0x4  }
0x3a: {  	v62 =	vshll.u32 v3, $0x3  }
0x3b: {  	v3 =	vand.u32 $0x7, v3;
	v4 =	vand.u32 $0xFFFFFFC0, v62  }
0x3c: {  	v3 =	vor.u32 v3, v4  }
0x3d: {  	v4 =	vperm.xlane v3, v0;
	_ =	sdelay $0x1  }
0x3e: {  	v4 =	vadd.s32 v1, v4;
	_ =	sdelay $0x3  }
0x3f: {  	s4 =	simm.s32 $0x4A00  }
0x40: {  	[tilespmem:s4], [sflag:$0x1] =	stream.indirect_vreg.gather [hbm4b:s1+s3], $0x80, v4, vm0, $0xb8;
	[tilespmem:$0x14A00] =	vst v63  }
0x41: {  	v3 =	vperm.xlane v3, v2;
	s4 =	simm.s32 $0x5200  }
0x42: {  	[tilespmem:s4], [sflag:$0x1] =	stream.indirect_vreg.gather [hbm4b:s5+s3], $0x80, v4, vm0, $0xb8;
	[tilespmem:$0x14A00] =	vst v63  }
0x43: {  	v3 =	vadd.s32 v1, v3;
	s4 =	simm.s32 $0x5A00  }
0x44: {  	[tilespmem:s4], [sflag:$0x1] =	stream.indirect_vreg.gather [hbm4b:s6+s3], $0x80, v4, vm0, $0xb8;
	[tilespmem:$0x14A00] =	vst v63  }
0x45: {  	s4 =	simm.s32 $0x6200  }
0x46: {  	[tilespmem:s4], [sflag:$0x1] =	stream.indirect_vreg.gather [hbm4b:s7+s3], $0x80, v4, vm0, $0xb8;
	[tilespmem:$0x14A00] =	vst v63  }
0x47: {  	s4 =	simm.s32 $0x6A00  }
0x48: {  	[tilespmem:s4], [sflag:$0x1] =	stream.indirect_vreg.gather [hbm4b:s1+s3], $0x80, v3, vm0, $0xb8;
	[tilespmem:$0x14A00] =	vst v63  }
0x49: {  	s4 =	simm.s32 $0x7200  }
0x4a: {  	[tilespmem:s4], [sflag:$0x1] =	stream.indirect_vreg.gather [hbm4b:s5+s3], $0x80, v3, vm0, $0xb8;
	[tilespmem:$0x14A00] =	vst v63  }
0x4b: {  	s4 =	simm.s32 $0x7A00  }
0x4c: {  	[tilespmem:s4], [sflag:$0x1] =	stream.indirect_vreg.gather [hbm4b:s6+s3], $0x80, v3, vm0, $0xb8;
	[tilespmem:$0x14A00] =	vst v63  }
0x4d: {  	s4 =	simm.s32 $0x8200  }
0x4e: {  	[tilespmem:s4], [sflag:$0x1] =	stream.indirect_vreg.gather [hbm4b:s7+s3], $0x80, v3, vm0, $0xb8;
	[tilespmem:$0x14A00] =	vst v63  }
0x4f: {  	v3 =	vld.msk [tilespmem:$0x20], $0xff;
	_ =	sdelay $0x4  }
0x50: {  	v63 =	vshll.u32 v3, $0x3  }
0x51: {  	v3 =	vand.u32 $0x7, v3;
	v4 =	vand.u32 $0xFFFFFFC0, v63  }
0x52: {  	v3 =	vor.u32 v3, v4  }
0x53: {  	v3 =	vperm.xlane v3, v0;
	_ =	sdelay $0x1  }
0x54: {  	v3 =	vadd.s32 v1, v3;
	_ =	sdelay $0x3  }
0x55: {  	s4 =	simm.s32 $0x8A00  }
0x56: {  	[tilespmem:s4], [sflag:$0x1] =	stream.indirect_vreg.gather [hbm4b:s1+s3], $0x80, v3, vm0, $0xb8;
	[tilespmem:$0x14A00] =	vst v63  }
0x57: {  	s4 =	simm.s32 $0x9200  }
0x58: {  	[tilespmem:s4], [sflag:$0x1] =	stream.indirect_vreg.gather [hbm4b:s5+s3], $0x80, v3, vm0, $0xb8;
	[tilespmem:$0x14A00] =	vst v63  }
.Ltmp2:
0x59: {  	_ = 	snop;
	(pc) =	sbr.rel .LBB2_2-.Ltmp2, $4  }
0x5a: {  	s4 =	simm.s32 $0x9A00  }
0x5b: {  	[tilespmem:s4], [sflag:$0x1] =	stream.indirect_vreg.gather [hbm4b:s6+s3], $0x80, v3, vm0, $0xb8;
	[tilespmem:$0x14A00] =	vst v63  }
0x5c: {  	s31 =	simm.s32 $0x38;
	s0 =	simm.s32 $0x0;
	s4 =	simm.s32 $0xA200  }
0x5d: {  	[tilespmem:s4], [sflag:$0x1] =	stream.indirect_vreg.gather [hbm4b:s7+s3], $0x80, v3, vm0, $0xb8;
	[tilespmem:$0x14A00] =	vst v63  }
.LBB2_4:
0x5e: {  	s0 =	sadd.s32 $0x2800, s0  }
0x5f: {  	p0 =	sne.s32 s0, $0x50000  }
.Ltmp3:
0x60: {  	_ = 	snop;
	(pc) =	sbr.rel @!p0 .LBB2_5-.Ltmp3, $4  }
0x61: {  	_ =	swait.ge [sflag:s29], $0xA000  }
0x62: {  	[sflag:s29] =	ssyncset.done $0x0  }
0x63: {  	s4 =	sadd.s32 $0x1400, s4;
	s31 =	sadd.s32 $0x50, s31;
	[sflag:s29] =	ssyncadd.s32 $0xFFFF6000  }
0x64: {  	[hbm4b:s4+s3] =	stream.linear.scatter [tilespmem:s2], [sflag:$0x4], $0xA000, $0x38;
	[tilespmem:$0x14A00] =	vst v63  }
.LBB2_2:
0x65: {  	p0 =	seq.s32 s0, $0x0  }
0x66: {  	s4 =	simm.s32 @!p0 $0x4  }
0x67: {  	_ =	swait.ge @!p0 [sflag:s4], $0xA000  }
0x68: {  	[sflag:s4] =	ssyncset.done @!p0 $0x0  }
0x69: {  	[sflag:s4] =	ssyncadd.s32 @!p0 $0xFFFF6000  }
0x6a: {  	v3 =	vld [tilespmem:s31+$0xFFFFFFF0];
	_ =	sdelay $0x4  }
0x6b: {  	v4 =	vshll.u32 v3, $0x3  }
0x6c: {  	v3 =	vand.u32 $0x7, v3;
	v4 =	vand.u32 $0xFFFFFFC0, v4  }
0x6d: {  	v3 =	vor.u32 v3, v4  }
0x6e: {  	v4 =	vperm.xlane v3, v0;
	_ =	sdelay $0x1  }
0x6f: {  	v4 =	vadd.s32 v1, v4;
	_ =	sdelay $0x4  }
0x70: {  	[tilespmem:s2], [sflag:$0x2] =	stream.indirect_vreg.gather [hbm4b:s1+s3], $0x80, v4, vm0, $0xb8;
	[tilespmem:$0x14A00] =	vst v63  }
0x71: {  	v3 =	vperm.xlane v3, v2  }
0x72: {  	[tilespmem:s8], [sflag:$0x2] =	stream.indirect_vreg.gather [hbm4b:s5+s3], $0x80, v4, vm0, $0xb8;
	[tilespmem:$0x14A00] =	vst v63  }
0x73: {  	s4 =	simm.s32 $0xBA00;
	v3 =	vadd.s32 v1, v3  }
0x74: {  	[tilespmem:s4], [sflag:$0x2] =	stream.indirect_vreg.gather [hbm4b:s6+s3], $0x80, v4, vm0, $0xb8;
	[tilespmem:$0x14A00] =	vst v63  }
0x75: {  	s4 =	simm.s32 $0xC200  }
0x76: {  	[tilespmem:s4], [sflag:$0x2] =	stream.indirect_vreg.gather [hbm4b:s7+s3], $0x80, v4, vm0, $0xb8;
	[tilespmem:$0x14A00] =	vst v63  }
0x77: {  	_ = 	snop  }
0x78: {  	[tilespmem:s10], [sflag:$0x2] =	stream.indirect_vreg.gather [hbm4b:s1+s3], $0x80, v3, vm0, $0xb8;
	[tilespmem:$0x14A00] =	vst v63  }
0x79: {  	_ = 	snop  }
0x7a: {  	[tilespmem:s12], [sflag:$0x2] =	stream.indirect_vreg.gather [hbm4b:s5+s3], $0x80, v3, vm0, $0xb8;
	[tilespmem:$0x14A00] =	vst v63  }
0x7b: {  	_ = 	snop  }
0x7c: {  	[tilespmem:s13], [sflag:$0x2] =	stream.indirect_vreg.gather [hbm4b:s6+s3], $0x80, v3, vm0, $0xb8;
	[tilespmem:$0x14A00] =	vst v63  }
0x7d: {  	_ = 	snop  }
0x7e: {  	[tilespmem:s14], [sflag:$0x2] =	stream.indirect_vreg.gather [hbm4b:s7+s3], $0x80, v3, vm0, $0xb8;
	[tilespmem:$0x14A00] =	vst v63  }
0x7f: {  	v3 =	vld [tilespmem:s31+$0x0];
	_ =	sdelay $0x4  }
0x80: {  	v62 =	vshll.u32 v3, $0x3  }
0x81: {  	v3 =	vand.u32 $0x7, v3;
	v4 =	vand.u32 $0xFFFFFFC0, v62  }
0x82: {  	v3 =	vor.u32 v3, v4  }
0x83: {  	v4 =	vperm.xlane v3, v0;
	_ =	sdelay $0x1  }
0x84: {  	v4 =	vadd.s32 v1, v4;
	_ =	sdelay $0x4  }
0x85: {  	[tilespmem:s15], [sflag:$0x2] =	stream.indirect_vreg.gather [hbm4b:s1+s3], $0x80, v4, vm0, $0xb8;
	[tilespmem:$0x14A00] =	vst v63  }
0x86: {  	v3 =	vperm.xlane v3, v2  }
0x87: {  	[tilespmem:s16], [sflag:$0x2] =	stream.indirect_vreg.gather [hbm4b:s5+s3], $0x80, v4, vm0, $0xb8;
	[tilespmem:$0x14A00] =	vst v63  }
0x88: {  	v3 =	vadd.s32 v1, v3  }
0x89: {  	[tilespmem:s17], [sflag:$0x2] =	stream.indirect_vreg.gather [hbm4b:s6+s3], $0x80, v4, vm0, $0xb8;
	[tilespmem:$0x14A00] =	vst v63  }
0x8a: {  	_ = 	snop  }
0x8b: {  	[tilespmem:s18], [sflag:$0x2] =	stream.indirect_vreg.gather [hbm4b:s7+s3], $0x80, v4, vm0, $0xb8;
	[tilespmem:$0x14A00] =	vst v63  }
0x8c: {  	_ = 	snop  }
0x8d: {  	[tilespmem:s19], [sflag:$0x2] =	stream.indirect_vreg.gather [hbm4b:s1+s3], $0x80, v3, vm0, $0xb8;
	[tilespmem:$0x14A00] =	vst v63  }
0x8e: {  	_ = 	snop  }
0x8f: {  	[tilespmem:s20], [sflag:$0x2] =	stream.indirect_vreg.gather [hbm4b:s5+s3], $0x80, v3, vm0, $0xb8;
	[tilespmem:$0x14A00] =	vst v63  }
0x90: {  	_ = 	snop  }
0x91: {  	[tilespmem:s21], [sflag:$0x2] =	stream.indirect_vreg.gather [hbm4b:s6+s3], $0x80, v3, vm0, $0xb8;
	[tilespmem:$0x14A00] =	vst v63  }
0x92: {  	_ = 	snop  }
0x93: {  	[tilespmem:s22], [sflag:$0x2] =	stream.indirect_vreg.gather [hbm4b:s7+s3], $0x80, v3, vm0, $0xb8;
	[tilespmem:$0x14A00] =	vst v63  }
0x94: {  	v3 =	vld.msk [tilespmem:s31+$0x10], $0xff;
	_ =	sdelay $0x4  }
0x95: {  	v63 =	vshll.u32 v3, $0x3  }
0x96: {  	v3 =	vand.u32 $0x7, v3;
	v4 =	vand.u32 $0xFFFFFFC0, v63  }
0x97: {  	v3 =	vor.u32 v3, v4  }
0x98: {  	v3 =	vperm.xlane v3, v0;
	_ =	sdelay $0x1  }
0x99: {  	v3 =	vadd.s32 v1, v3;
	_ =	sdelay $0x4  }
0x9a: {  	[tilespmem:s23], [sflag:$0x2] =	stream.indirect_vreg.gather [hbm4b:s1+s3], $0x80, v3, vm0, $0xb8;
	[tilespmem:$0x14A00] =	vst v63  }
0x9b: {  	_ = 	snop  }
0x9c: {  	[tilespmem:s24], [sflag:$0x2] =	stream.indirect_vreg.gather [hbm4b:s5+s3], $0x80, v3, vm0, $0xb8;
	[tilespmem:$0x14A00] =	vst v63  }
0x9d: {  	_ = 	snop  }
0x9e: {  	[tilespmem:s25], [sflag:$0x2] =	stream.indirect_vreg.gather [hbm4b:s6+s3], $0x80, v3, vm0, $0xb8;
	[tilespmem:$0x14A00] =	vst v63  }
0x9f: {  	p0 =	seq.s32 s0, $0x4D800  }
0xa0: {  	[tilespmem:s26], [sflag:$0x2] =	stream.indirect_vreg.gather [hbm4b:s7+s3], $0x80, v3, vm0, $0xb8;
	[tilespmem:$0x14A00] =	vst v63  }
.Ltmp4:
0xa1: {  	_ = 	snop;
	(pc) =	sbr.rel @p0 .LBB2_4-.Ltmp4, $4  }
0xa2: {  	_ =	swait.ge [sflag:s28], $0xA000  }
0xa3: {  	[sflag:s28] =	ssyncset.done $0x0  }
0xa4: {  	s4 =	sadd.s32 s0, s9;
	[sflag:s28] =	ssyncadd.s32 $0xFFFF6000  }
0xa5: {  	[hbm4b:s4+s3] =	stream.linear.scatter [tilespmem:s11], [sflag:$0x3], $0xA000, $0x38;
	[tilespmem:$0x14A00] =	vst v63  }
0xa6: {  	_ =	swait.ge [sflag:s30], $0xA000  }
0xa7: {  	[sflag:s30] =	ssyncset.done $0x0  }
0xa8: {  	[sflag:s30] =	ssyncadd.s32 $0xFFFF6000  }
0xa9: {  	v3 =	vld [tilespmem:s31+$0x18];
	_ =	sdelay $0x4  }
0xaa: {  	v4 =	vshll.u32 v3, $0x3  }
0xab: {  	v3 =	vand.u32 $0x7, v3;
	v4 =	vand.u32 $0xFFFFFFC0, v4  }
0xac: {  	v3 =	vor.u32 v3, v4  }
0xad: {  	v4 =	vperm.xlane v3, v0;
	_ =	sdelay $0x1  }
0xae: {  	v4 =	vadd.s32 v1, v4;
	_ =	sdelay $0x4  }
0xaf: {  	[tilespmem:s11], [sflag:$0x1] =	stream.indirect_vreg.gather [hbm4b:s1+s3], $0x80, v4, vm0, $0xb8;
	[tilespmem:$0x14A00] =	vst v63  }
0xb0: {  	s8 =	simm.s32 $0x1200;
	v3 =	vperm.xlane v3, v2  }
0xb1: {  	[tilespmem:s8], [sflag:$0x1] =	stream.indirect_vreg.gather [hbm4b:s5+s3], $0x80, v4, vm0, $0xb8;
	[tilespmem:$0x14A00] =	vst v63  }
0xb2: {  	v3 =	vadd.s32 v1, v3;
	s8 =	simm.s32 $0x1A00  }
0xb3: {  	[tilespmem:s8], [sflag:$0x1] =	stream.indirect_vreg.gather [hbm4b:s6+s3], $0x80, v4, vm0, $0xb8;
	[tilespmem:$0x14A00] =	vst v63  }
0xb4: {  	s8 =	simm.s32 $0x2200  }
0xb5: {  	[tilespmem:s8], [sflag:$0x1] =	stream.indirect_vreg.gather [hbm4b:s7+s3], $0x80, v4, vm0, $0xb8;
	[tilespmem:$0x14A00] =	vst v63  }
0xb6: {  	s8 =	simm.s32 $0x2A00  }
0xb7: {  	[tilespmem:s8], [sflag:$0x1] =	stream.indirect_vreg.gather [hbm4b:s1+s3], $0x80, v3, vm0, $0xb8;
	[tilespmem:$0x14A00] =	vst v63  }
0xb8: {  	s8 =	simm.s32 $0x3200  }
0xb9: {  	[tilespmem:s8], [sflag:$0x1] =	stream.indirect_vreg.gather [hbm4b:s5+s3], $0x80, v3, vm0, $0xb8;
	[tilespmem:$0x14A00] =	vst v63  }
0xba: {  	s8 =	simm.s32 $0x3A00  }
0xbb: {  	[tilespmem:s8], [sflag:$0x1] =	stream.indirect_vreg.gather [hbm4b:s6+s3], $0x80, v3, vm0, $0xb8;
	[tilespmem:$0x14A00] =	vst v63  }
0xbc: {  	s8 =	simm.s32 $0x4200  }
0xbd: {  	[tilespmem:s8], [sflag:$0x1] =	stream.indirect_vreg.gather [hbm4b:s7+s3], $0x80, v3, vm0, $0xb8;
	[tilespmem:$0x14A00] =	vst v63  }
0xbe: {  	v3 =	vld [tilespmem:s31+$0x28];
	_ =	sdelay $0x4  }
0xbf: {  	v62 =	vshll.u32 v3, $0x3  }
0xc0: {  	v3 =	vand.u32 $0x7, v3;
	v4 =	vand.u32 $0xFFFFFFC0, v62  }
0xc1: {  	v3 =	vor.u32 v3, v4  }
0xc2: {  	v4 =	vperm.xlane v3, v0;
	_ =	sdelay $0x1  }
0xc3: {  	v4 =	vadd.s32 v1, v4;
	_ =	sdelay $0x3  }
0xc4: {  	s8 =	simm.s32 $0x4A00  }
0xc5: {  	[tilespmem:s8], [sflag:$0x1] =	stream.indirect_vreg.gather [hbm4b:s1+s3], $0x80, v4, vm0, $0xb8;
	[tilespmem:$0x14A00] =	vst v63  }
0xc6: {  	v3 =	vperm.xlane v3, v2;
	s8 =	simm.s32 $0x5200  }
0xc7: {  	[tilespmem:s8], [sflag:$0x1] =	stream.indirect_vreg.gather [hbm4b:s5+s3], $0x80, v4, vm0, $0xb8;
	[tilespmem:$0x14A00] =	vst v63  }
0xc8: {  	v3 =	vadd.s32 v1, v3;
	s8 =	simm.s32 $0x5A00  }
0xc9: {  	[tilespmem:s8], [sflag:$0x1] =	stream.indirect_vreg.gather [hbm4b:s6+s3], $0x80, v4, vm0, $0xb8;
	[tilespmem:$0x14A00] =	vst v63  }
0xca: {  	s8 =	simm.s32 $0x6200  }
0xcb: {  	[tilespmem:s8], [sflag:$0x1] =	stream.indirect_vreg.gather [hbm4b:s7+s3], $0x80, v4, vm0, $0xb8;
	[tilespmem:$0x14A00] =	vst v63  }
0xcc: {  	s8 =	simm.s32 $0x6A00  }
0xcd: {  	[tilespmem:s8], [sflag:$0x1] =	stream.indirect_vreg.gather [hbm4b:s1+s3], $0x80, v3, vm0, $0xb8;
	[tilespmem:$0x14A00] =	vst v63  }
0xce: {  	s8 =	simm.s32 $0x7200  }
0xcf: {  	[tilespmem:s8], [sflag:$0x1] =	stream.indirect_vreg.gather [hbm4b:s5+s3], $0x80, v3, vm0, $0xb8;
	[tilespmem:$0x14A00] =	vst v63  }
0xd0: {  	s8 =	simm.s32 $0x7A00  }
0xd1: {  	[tilespmem:s8], [sflag:$0x1] =	stream.indirect_vreg.gather [hbm4b:s6+s3], $0x80, v3, vm0, $0xb8;
	[tilespmem:$0x14A00] =	vst v63  }
0xd2: {  	s8 =	simm.s32 $0x8200  }
0xd3: {  	[tilespmem:s8], [sflag:$0x1] =	stream.indirect_vreg.gather [hbm4b:s7+s3], $0x80, v3, vm0, $0xb8;
	[tilespmem:$0x14A00] =	vst v63  }
0xd4: {  	v3 =	vld.msk [tilespmem:s31+$0x38], $0xff;
	_ =	sdelay $0x4  }
0xd5: {  	v63 =	vshll.u32 v3, $0x3  }
0xd6: {  	v3 =	vand.u32 $0x7, v3;
	v4 =	vand.u32 $0xFFFFFFC0, v63  }
0xd7: {  	v3 =	vor.u32 v3, v4  }
0xd8: {  	v3 =	vperm.xlane v3, v0;
	_ =	sdelay $0x1  }
0xd9: {  	v3 =	vadd.s32 v1, v3;
	_ =	sdelay $0x3  }
0xda: {  	s8 =	simm.s32 $0x8A00  }
0xdb: {  	[tilespmem:s8], [sflag:$0x1] =	stream.indirect_vreg.gather [hbm4b:s1+s3], $0x80, v3, vm0, $0xb8;
	[tilespmem:$0x14A00] =	vst v63  }
0xdc: {  	s8 =	simm.s32 $0x9200  }
0xdd: {  	[tilespmem:s8], [sflag:$0x1] =	stream.indirect_vreg.gather [hbm4b:s5+s3], $0x80, v3, vm0, $0xb8;
	[tilespmem:$0x14A00] =	vst v63  }
.Ltmp5:
0xde: {  	s8 =	simm.s32 $0x9A00;
	(pc) =	sbr.rel .LBB2_4-.Ltmp5, $4  }
0xdf: {  	[tilespmem:s8], [sflag:$0x1] =	stream.indirect_vreg.gather [hbm4b:s6+s3], $0x80, v3, vm0, $0xb8;
	[tilespmem:$0x14A00] =	vst v63  }
0xe0: {  	s8 =	simm.s32 $0xA200  }
0xe1: {  	[tilespmem:s8], [sflag:$0x1] =	stream.indirect_vreg.gather [hbm4b:s7+s3], $0x80, v3, vm0, $0xb8;
	[tilespmem:$0x14A00] =	vst v63  }
0xe2: {  	s8 =	simm.s32 $0xB200  }
.LBB2_6:
0xe3: {  	_ =	sfence.sel $0x180000  }
0xe4: {  	[bflag:$0x0] =	sbarrier.arrive $0xFFFF  }
0xe5: {  	_ =	strace $0x90000047  }
0xe6: {  	s0 =	stileid.u32;
	[bflag:$0x2] =	sbarrier.arrive $0xFFFF  }
0xe7: {  	p0 =	sne.s32 s0, $0x0;
	s0 =	rddreg [dreg:$0x3]  }
0xe8: {  	s0 =	sadd.s32 @!p0 $0x100000, s0  }
0xe9: {  	[sflag:s0] =	ssyncadd.tile.s32 @!p0 $0x1;
	_ =	shalt  }
.Lfunc_end2:
_tile_overlayer_lowered:
.L_overlay_start_2:
0xea: {  	(tag) =	ssettag $0x2  }
0xeb: {  	s0 =	rddreg [dreg:$0x0];
	s2 =	stileid.u32  }
0xec: {  	s1 =	rddreg [dreg:$0x1];
	p0 =	sne.s32 s2, $0x0  }
0xed: {  	s3 =	rddreg [dreg:$0x2];
	[bflag:$0x3] =	sbarrier.arrive $0xFFFF;
	s2 =	simm.s32 @!p0 $0x1C05  }
0xee: {  	[timem:s3], [sflag:s2] =	dma.local @!p0 [hbm:s0], s1  }
0xef: {  	s0 =	simm.s32 @!p0 $0x5  }
0xf0: {  	_ =	swait.ge @!p0 [sflag:s0], s1  }
0xf1: {  	s1 =	ssub.s32 @!p0 $0x0, s1;
	[sflag:s0] =	ssyncset.done @!p0 $0x0  }
0xf2: {  	[sflag:s0] =	ssyncadd.s32 @!p0 s1  }
0xf3: {  	[bflag:$0x3] =	sbarrier.arrive $0xFFFF  }
0xf4: {  	_ =	shalt  }

// kernel: sparse-core-data-format-call.cloned.1.call-start
scs
called_computation_lowered:
.L_overlay_start_0:
0x0: {  	s2 =	sld [smem:$0x3FD9]  }
0x1: {  	s3 =	sld [smem:$0x3FFE];
	_ =	sdelay $0x1  }
0x2: {  	s1 =	srdreg.scid  }
0x3: {  	s0 =	sand.u32 $0x1, s1  }
0x4: {  	s18 =	sshll.u32 s0, $0xA;
	s2 =	sadd.s32 s3, s2  }
0x5: {  	s2 =	sadd.s32 s2, s18  }
0x6: {  	[smem:$0x3FC6] =	sst s2  }
0x7: {  	_ = 	snop  }
0x8: {  	s2 =	sld [smem:$0x3FD0];
	(tm) =	ssettm $0x1  }
0x9: {  	s19 =	sld [smem:$0x3FFB];
	_ =	sdelay $0x3  }
0xa: {  	_ =	strace s19  }
0xb: {  	s3 =	sld [smem:$0x3FFC];
	_ =	sdelay $0x3  }
0xc: {  	_ =	strace s3  }
0xd: {  	s3 =	sld [smem:$0x3FFD];
	_ =	sdelay $0x3  }
0xe: {  	_ =	strace s3  }
0xf: {  	_ =	strace $0x8FFFFFFF  }
0x10: {  	s20 =	sld [smem:$0x3FDB];
	_ =	sdelay $0x1  }
0x11: {  	s4 =	simm.s32 $_scs_section_size  }
0x12: {  	s5 =	simm.s32 $_size__tile_overlayer_lowered;
	s6 =	simm.s32 $_tile_overlayer_lowered  }
0x13: {  	s23 =	simm.s32 $0x1BFF;
	s22 =	sshll.u32 s6, $0x1;
	s3 =	sadd.s32 s4, s20  }
0x14: {  	s7 =	simm.s32 $0x0;
	s21 =	sshll.u32 s5, $0x1;
	s5 =	sadd.s32 s22, s3  }
0x15: {  	[timem:s7], [sflag:s23] =	dma.local [hbm:s5], s21  }
0x16: {  	_ =	swait.ge [sflag:s23], s21  }
0x17: {  	s4 =	ssub.s32 $0x0, s21;
	[sflag:s23] =	ssyncset.done $0x0  }
0x18: {  	[sflag:s23] =	ssyncadd.s32 s4;
	_ =	sdelay $0x1  }
0x19: {  	s24 =	simm.s32 $0x1B8B  }
0x1a: {  	_ =	swait.ge [sflag:s24], $0x1  }
0x1b: {  	[sflag:s24] =	ssyncset.done $0x0  }
0x1c: {  	s26 =	simm.s32 $0x1B8E;
	s25 =	sld [smem:$0x3FFE];
	[sflag:s24] =	ssyncadd.s32 $0xFFFFFFFF  }
0x1d: {  	s27 =	simm.s32 $execute0_lowered;
	[smem:$0x3FD2] =	sst s26  }
0x1e: {  	s5 =	sshll.u32 s27, $0x1;
	_ =	strace $0x80000049;
	[dreg:$0x1] =	wrdreg $0xFFFFFFFF  }
0x1f: {  	s28 =	simm.s32 $_size_execute0_lowered;
	s3 =	sadd.s32 s3, s5;
	[dreg:$0x0] =	wrdreg $0x0  }
0x20: {  	s5 =	sshll.u32 s28, $0x1;
	[dreg:$0x2] =	wrdreg s3  }
0x21: {  	[dreg:$0x3] =	wrdreg s5  }
0x22: {  	[dreg:$0x4] =	wrdreg $0xC0  }
0x23: {  	_ =	task [dreg:s7], $0x5FFFF  }
0x24: {  	[dreg:$0x1] =	wrdreg $0xFFFFFFFF  }
0x25: {  	[dreg:$0x0] =	wrdreg $0x60  }
0x26: {  	[dreg:$0x2] =	wrdreg s25  }
0x27: {  	[dreg:$0x3] =	wrdreg s2  }
0x28: {  	[dreg:$0x4] =	wrdreg $0x9  }
0x29: {  	_ =	task.clear_ibuf [dreg:s7], $0x5FFFF;
	_ =	strace $0x90000049  }
0x2a: {  	s29 =	simm.s32 $0x9;
	_ =	strace $0x8000004B  }
0x2b: {  	_ =	swait.ge [sflag:s29], $0x1  }
0x2c: {  	[sflag:s29] =	ssyncadd.s32 $0xFFFFFFFF  }
0x2d: {  	_ =	strace $0x9000004B  }
0x2e: {  	_ =	sfence  }
0x2f: {  	s30 =	sld [smem:$0x0];
	_ =	sdelay $0x2  }
0x30: {  	s31 =	sshll.u32 s1, $0xD;
	s1 =	sshrl.u32 s1, $0x2  }
0x31: {  	s3 =	sand.u32 $0x4000, s31;
	s1 =	sadd.s32 s1, s30  }
0x32: {  	s0 =	sor.u32 s3, s0;
	s1 =	sshll.u32 s1, $0x11  }
0x33: {  	s0 =	sor.u32 s1, s0  }
0x34: {  	s0 =	sadd.s32 $0x8F2B, s0  }
0x35: {  	[sflag:s0] =	ssyncadd.remote.s32 $0x1  }
0x36: {  	_ =	sfence.sel $0xFFFF  }
0x37: {  	[dreg:$0x0] =	wrdreg $0xFFFFFFFF;
	(pc) =	sbr.abs _section_cstart, $3  }
0x38: {  	[dreg:$0x1] =	wrdreg $0xFFFFFFFF  }
0x39: {  	_ =	task.clear_ibuf [dreg:s7], $0x2FFFF;
	_ =	strace $0x9FFFFFFF  }
0x3a: {  	(tm) =	ssettm $0x7FFFFFFF  }
0x3b: {  	_ =	shalt  }
tec
execute0_lowered:
.L_overlay_start_1:
0x0: {  	(tag) =	ssettag $0x1  }
0x1: {  	s0 =	srdreg.scid  }
0x2: {  	s1 =	sshll.u32 s0, $0x4  }
0x3: {  	s6 =	rddreg [dreg:$0x0];
	s0 =	stileid.u32;
	s1 =	sand.u32 $0x10, s1  }
0x4: {  	s3 =	rddreg [dreg:$0x1];
	s1 =	sor.u32 s0, s1  }
0x5: {  	s5 =	simm.s32 $0x1;
	s31 =	simm.s32 $0x2;
	s2 =	sshll.u32 s1, $0x7  }
0x6: {  	s14 =	simm.s32 $0x0;
	s8 =	simm.s32 $0x2000;
	s4 =	ssub.s32 $0x1000, s2  }
0x7: {  	s9 =	simm.s32 $0x0;
	s15 =	simm.s32 $0x0;
	s30 =	sand.u32 $0xF80, s4  }
0x8: {  	s16 =	simm.s32 $0x0;
	s10 =	simm.s32 $0x0;
	p0 =	sne.s32 s30, $0x0  }
.Ltmp0:
0x9: {  	s7 =	sshrl.u32 s4, $0xC;
	s5 =	simm.s32 @!p0 $0x0;
	(pc) =	sbr.rel .LBB1_1-.Ltmp0, $4  }
0xa: {  	s11 =	simm.s32 $0x0;
	s1 =	rddreg [dreg:$0x2];
	s5 =	sadd.s32 s5, s7  }
0xb: {  	_ =	strace $0x8000004A;
	s4 =	simm.s32 $0x1;
	s5 =	smul.u32 $0xA0, s5  }
0xc: {  	s13 =	simm.s32 $0x0;
	s6 =	sadd.s32 $0x800, s6;
	[sflag:s4] =	ssyncpa.u1 $0x0  }
0xd: {  	s12 =	smov.u32 s2;
	[sflag:s31] =	ssyncpa.u1 $0x0;
	s7 =	sor.u32 $0x1, s5  }
.LBB1_4:
0xe: {  	_ =	sdelay $0x3  }
0xf: {  	[tilespmem:v0+s19+$0xFFFFFFD0 ss:$0x1] =	vst.idx.msk $0xffff, v6  }
0x10: {  	v56 =	vld.idx.msk [tilespmem:v1+s18+$0x0 ss:$0x1], $0xffff;
	[tilespmem:v0+s19+$0xFFFFFFE0 ss:$0x1] =	vst.idx.msk $0xffff, v4  }
0x11: {  	v57 =	vld.idx.msk [tilespmem:v1+s18+$0xFFFFFF90 ss:$0x1], $0xffff;
	[tilespmem:v0+s19+$0xFFFFFFF0 ss:$0x1] =	vst.idx.msk $0xffff, v2  }
0x12: {  	v58 =	vld.idx.msk [tilespmem:v1+s18+$0xFFFFFFA0 ss:$0x1], $0xffff;
	[tilespmem:v0+s19+$0x0 ss:$0x1] =	vst.idx.msk $0xffff, v3  }
0x13: {  	v59 =	vld.idx.msk [tilespmem:v1+s18+$0xFFFFFFB0 ss:$0x1], $0xffff;
	[tilespmem:v0+s19+$0x10 ss:$0x1] =	vst.idx.msk $0xffff, v5  }
0x14: {  	v60 =	vld.idx.msk [tilespmem:v1+s18+$0xFFFFFFC0 ss:$0x1], $0xffff;
	[tilespmem:v0+s19+$0x20 ss:$0x1] =	vst.idx.msk $0xffff, v7  }
0x15: {  	v61 =	vld.idx.msk [tilespmem:v1+s18+$0xFFFFFFD0 ss:$0x1], $0xffff;
	[tilespmem:v0+s18+$0x30 ss:$0x1] =	vst.idx.msk $0xffff, v56  }
0x16: {  	v62 =	vld.idx.msk [tilespmem:v1+s18+$0xFFFFFFE0 ss:$0x1], $0xffff;
	[tilespmem:v0+s18+$0xFFFFFFC0 ss:$0x1] =	vst.idx.msk $0xffff, v57  }
0x17: {  	v63 =	vld.idx.msk [tilespmem:v1+s18+$0xFFFFFFF0 ss:$0x1], $0xffff;
	s16 =	sshll.u32 s16, $0x7;
	[tilespmem:v0+s18+$0xFFFFFFD0 ss:$0x1] =	vst.idx.msk $0xffff, v58  }
0x18: {  	s30 =	sand.u32 $0x78, s14;
	s15 =	sshll.u32 s15, $0x13;
	s20 =	sand.u32 $0x380, s16;
	[tilespmem:v0+s18+$0xFFFFFFE0 ss:$0x1] =	vst.idx.msk $0xffff, v59  }
0x19: {  	s31 =	sand.u32 $0x7, s14;
	s16 =	sand.u32 $0x7FC00, s16;
	s19 =	sor.u32 s20, s30;
	[tilespmem:v0+s18+$0xFFFFFFF0 ss:$0x1] =	vst.idx.msk $0xffff, v60  }
0x1a: {  	s15 =	sadd.s32 s3, s15;
	s16 =	sadd.s32 s14, s16;
	s19 =	sshrl.u32 s19, $0x3;
	[tilespmem:v0+s18+$0x0 ss:$0x1] =	vst.idx.msk $0xffff, v61  }
0x1b: {  	s14 =	sshll.u32 s31, $0x12;
	s16 =	sand.u32 $0x7FF80, s16;
	s15 =	sadd.s32 s19, s15;
	[tilespmem:v0+s18+$0x10 ss:$0x1] =	vst.idx.msk $0xffff, v62  }
0x1c: {  	s14 =	sor.u32 $0x400, s14;
	[tilespmem:v0+s18+$0x20 ss:$0x1] =	vst.idx.msk $0xffff, v63;
	s15 =	sadd.s32 s16, s15  }
0x1d: {  	[hbm4b:s15+s14] =	stream.strided.scatter [tilespmem:s17], [sflag:$0x2], $0x4000, s8, s14, $0x38;
	[tilespmem:$0x10000] =	vst v63  }
.LBB1_5:
0x1e: {  	s17 =	sadd.s32 $0x80, s10  }
0x1f: {  	s14 =	simm.s32 $0x1;
	p1 =	sgt.s32 s17, $0x3FF  }
0x20: {  	s14 =	simm.s32 @!p1 $0x0  }
0x21: {  	s18 =	sadd.s32 s14, s11  }
0x22: {  	s20 =	smov.u32 s12;
	s14 =	sadd.s32 $0x1000, s12;
	p2 =	sgt.s32 s18, $0x13  }
0x23: {  	s20 =	smov.u32 @p2 s14  }
0x24: {  	p0 =	slt.u32 s13, $0x2;
	s17 =	simm.s32 @p1 $0x0;
	p1 =	sgt.s32 s20, $0xFFF  }
0x25: {  	s19 =	simm.s32 @!p0 $0x2;
	s20 =	smov.u32 @p1 s2;
	p1 =	sne.s32 s13, s7  }
.Ltmp1:
0x26: {  	_ =	swait.ge @!p0 [sflag:s19], $0x4000;
	(pc) =	sbr.rel @!p1 .LBB1_6-.Ltmp1, $4  }
0x27: {  	s15 =	smov.u32 s11;
	[sflag:s19] =	ssyncset.done @!p0 $0x0  }
0x28: {  	s16 =	smov.u32 s12;
	s9 =	sadd.s32 $0x4000, s9;
	[sflag:s19] =	ssyncadd.s32 @!p0 $0xFFFFC000  }
0x29: {  	s18 =	simm.s32 @p2 $0x0;
	s14 =	smov.u32 s10;
	s10 =	smov.u32 s17  }
0x2a: {  	s11 =	smov.u32 s18;
	s13 =	sadd.s32 $0x1, s13;
	s12 =	smov.u32 s20  }
.LBB1_1:
0x2b: {  	p0 =	sge.u32 s13, s5  }
0x2c: {  	s17 =	sshll.u32 @!p0 s11, $0xA  }
0x2d: {  	s18 =	sshll.u32 @!p0 s10, $0x3;
	s17 =	sand.u32 @!p0 $0xFFFFE000, s17  }
0x2e: {  	s17 =	sadd.s32 @!p0 s17, s18  }
0x2f: {  	s17 =	sshrl.u32 @!p0 s17, $0xA  }
0x30: {  	s18 =	smulhi.u32 @!p0 $0xAAAAAAB, s17  }
0x31: {  	s19 =	sshll.u32 @!p0 s11, $0x7;
	s21 =	smul.u32 @!p0 $0xC00, s12  }
0x32: {  	s20 =	sand.u32 @!p0 $0x78, s10;
	s19 =	sand.u32 @!p0 $0x380, s19;
	s18 =	smul.u32 @!p0 $0x18, s18  }
0x33: {  	s31 =	sadd.s32 $0xFFFFFFFF, s13;
	s19 =	sor.u32 @!p0 s20, s19;
	s20 =	sadd.s32 @!p0 s6, s21  }
0x34: {  	s19 =	sshrl.u32 @!p0 s19, $0x3;
	s17 =	ssub.s32 @!p0 s17, s18;
	s18 =	sxor.u32 @!p0 $0xFFFFFFFF, s13  }
0x35: {  	s19 =	sadd.s32 @!p0 s19, s20;
	s20 =	sand.u32 @!p0 $0x7, s10;
	s18 =	sshll.u32 @!p0 s18, $0xE  }
0x36: {  	s20 =	sshll.u32 @!p0 s20, $0x12;
	s17 =	sshll.u32 @!p0 s17, $0x7;
	s18 =	sand.u32 @!p0 $0x4000, s18  }
0x37: {  	s17 =	sadd.s32 @!p0 s17, s19;
	s19 =	sor.u32 @!p0 $0x80, s20;
	s20 =	simm.s32 @!p0 $0x6000  }
0x38: {  	[tilespmem:s18], [sflag:$0x1] =	stream.strided.gather @!p0 [hbm4b:s17+s19], $0x4000, s20, s19, $0x38;
	[tilespmem:$0x10000] =	vst v63  }
0x39: {  	p0 =	sge.u32 s31, s5  }
.Ltmp2:
0x3a: {  	_ = 	snop;
	(pc) =	sbr.rel @p0 .LBB1_5-.Ltmp2, $1  }
0x3b: {  	_ =	sdelay $0x3  }
0x3c: {  	s17 =	sand.u32 $0x4000, s9  }
0x3d: {  	s18 =	sor.u32 $0x70, s17  }
0x3e: {  	v1 =	vmov s18;
	_ =	sdelay $0x1  }
0x3f: {  	_ =	swait.ge [sflag:s4], $0x4000  }
0x40: {  	[sflag:s4] =	ssyncset.done $0x0  }
0x41: {  	s19 =	simm.s32 $0x0;
	[sflag:s4] =	ssyncadd.s32 $0xFFFFC000  }
0x42: {  	s17 =	sor.u32 $0x8040, s17;
	v7 =	vld.idx.msk [tilespmem:v1+s19+$0x0 ss:$0x1], $0xffff  }
0x43: {  	v0 =	vmov s17;
	v8 =	vld.idx.msk [tilespmem:v1+s19+$0xFFFFFF90 ss:$0x1], $0xffff  }
0x44: {  	v6 =	vld.idx.msk [tilespmem:v1+s19+$0xFFFFFFA0 ss:$0x1], $0xffff  }
0x45: {  	v4 =	vld.idx.msk [tilespmem:v1+s19+$0xFFFFFFB0 ss:$0x1], $0xffff  }
0x46: {  	v2 =	vld.idx.msk [tilespmem:v1+s19+$0xFFFFFFC0 ss:$0x1], $0xffff  }
0x47: {  	s31 =	sshll.u32 s13, $0xE;
	v3 =	vld.idx.msk [tilespmem:v1+s19+$0xFFFFFFD0 ss:$0x1], $0xffff  }
0x48: {  	s17 =	sand.u32 $0x4000, s31;
	v5 =	vld.idx.msk [tilespmem:v1+s19+$0xFFFFFFE0 ss:$0x1], $0xffff;
	[tilespmem:v0+s19+$0x30 ss:$0x1] =	vst.idx.msk $0xffff, v7  }
0x49: {  	s20 =	simm.s32 $0x400;
	s18 =	simm.s32 $0x80;
	s17 =	sor.u32 $0x8000, s17;
	[tilespmem:v0+s19+$0xFFFFFFC0 ss:$0x1] =	vst.idx.msk $0xffff, v8;
	v7 =	vld.idx.msk [tilespmem:v1+s19+$0xFFFFFFF0 ss:$0x1], $0xffff  }
.LBB1_3:
0x4a: {  	p0 =	sne.s32 s20, $0xFE00;
	v8 =	vld.idx.msk [tilespmem:v1+s18+$0x0 ss:$0x1], $0xffff;
	[tilespmem:v0+s19+$0xFFFFFFD0 ss:$0x1] =	vst.idx.msk $0xffff, v6  }
0x4b: {  	v9 =	vld.idx.msk [tilespmem:v1+s18+$0xFFFFFF90 ss:$0x1], $0xffff;
	[tilespmem:v0+s19+$0xFFFFFFE0 ss:$0x1] =	vst.idx.msk $0xffff, v4  }
0x4c: {  	v6 =	vld.idx.msk [tilespmem:v1+s18+$0xFFFFFFA0 ss:$0x1], $0xffff;
	[tilespmem:v0+s19+$0xFFFFFFF0 ss:$0x1] =	vst.idx.msk $0xffff, v2  }
.Ltmp3:
0x4d: {  	v4 =	vld.idx.msk [tilespmem:v1+s18+$0xFFFFFFB0 ss:$0x1], $0xffff;
	[tilespmem:v0+s19+$0x0 ss:$0x1] =	vst.idx.msk $0xffff, v3;
	(pc) =	sbr.rel @p0 .LBB1_3-.Ltmp3, $4  }
0x4e: {  	v2 =	vld.idx.msk [tilespmem:v1+s18+$0xFFFFFFC0 ss:$0x1], $0xffff;
	[tilespmem:v0+s19+$0x10 ss:$0x1] =	vst.idx.msk $0xffff, v5  }
0x4f: {  	v3 =	vld.idx.msk [tilespmem:v1+s18+$0xFFFFFFD0 ss:$0x1], $0xffff;
	[tilespmem:v0+s19+$0x20 ss:$0x1] =	vst.idx.msk $0xffff, v7;
	s19 =	smov.u32 s18  }
0x50: {  	v5 =	vld.idx.msk [tilespmem:v1+s19+$0xFFFFFFE0 ss:$0x1], $0xffff;
	[tilespmem:v0+s19+$0x30 ss:$0x1] =	vst.idx.msk $0xffff, v8  }
0x51: {  	s18 =	sshra.s32 s20, $0x2;
	s20 =	sadd.s32 $0x200, s20;
	[tilespmem:v0+s19+$0xFFFFFFC0 ss:$0x1] =	vst.idx.msk $0xffff, v9;
	v7 =	vld.idx.msk [tilespmem:v1+s19+$0xFFFFFFF0 ss:$0x1], $0xffff  }
.Ltmp4:
0x52: {  	_ = 	snop;
	(pc) =	sbr.rel .LBB1_4-.Ltmp4, $1  }
0x53: {  	_ =	sdelay $0x3  }
.LBB1_6:
0x54: {  	_ =	sfence.sel $0x180000  }
0x55: {  	s2 =	simm.s32 $0x1;
	[bflag:$0x0] =	sbarrier.arrive $0xFFFF  }
0x56: {  	s31 =	simm.s32 $0x2;
	[sflag:s2] =	ssyncpa.u1 $0x1  }
0x57: {  	[sflag:s31] =	ssyncpa.u1 $0x1  }
0x58: {  	p0 =	sne.s32 s0, $0x0;
	_ =	strace $0x9000004A  }
0x59: {  	s0 =	sadd.s32 @!p0 $0x100000, s1;
	[bflag:$0x2] =	sbarrier.arrive $0xFFFF  }
0x5a: {  	[sflag:s0] =	ssyncadd.tile.s32 @!p0 $0x1;
	_ =	shalt  }
.Lfunc_end1:
_tile_overlayer_lowered:
.L_overlay_start_2:
0x5b: {  	(tag) =	ssettag $0x2  }
0x5c: {  	s0 =	rddreg [dreg:$0x0];
	s2 =	stileid.u32  }
0x5d: {  	s1 =	rddreg [dreg:$0x1];
	p0 =	sne.s32 s2, $0x0  }
0x5e: {  	s3 =	rddreg [dreg:$0x2];
	[bflag:$0x3] =	sbarrier.arrive $0xFFFF;
	s2 =	simm.s32 @!p0 $0x1C01  }
0x5f: {  	[timem:s3], [sflag:s2] =	dma.local @!p0 [hbm:s0], s1  }
0x60: {  	s0 =	simm.s32 @!p0 $0x1  }
0x61: {  	_ =	swait.ge @!p0 [sflag:s0], s1  }
0x62: {  	s1 =	ssub.s32 @!p0 $0x0, s1;
	[sflag:s0] =	ssyncset.done @!p0 $0x0  }
0x63: {  	[sflag:s0] =	ssyncadd.s32 @!p0 s1  }
0x64: {  	[bflag:$0x3] =	sbarrier.arrive $0xFFFF  }
0x65: {  	_ =	shalt  }

</sc_bundles>
